<compile_context>
chip_gen: v7x
topology: tpu7x:2x2x1
jax: 0.10.2.dev20260603
libtpu: 0.0.44.dev20260713+nightly
codegen_flags: <defaults>
</compile_context>

<pallas_src>
import functools

import jax
import jax.numpy as jnp
from jax import lax
from jax.experimental import pallas as pl
from jax.experimental.pallas import tpu as pltpu
from jax.experimental.pallas import tpu_sc as plsc

B, H, GY, GX = 16, 4, 64, 64
NUM_OBJ = 5000
NUM_ASSIGN = 20000

NC, NS, L = 2, 16, 16
NW = NC * NS
CHUNK = 640
NV = CHUNK // L


def _sc_body(pred_hbm, hr_hbm, sc_hbm, obj_hbm, img_hbm, head_hbm, gy_hbm,
             gx_hbm, out_hbm,
             hr_tab, sc_tab,
             obj_v, img_v, head_v, gy_v, gx_v,
             ip_v, p_v,
             acc_v, sem_idx, sem_tab):
    cid = lax.axis_index("c")
    sid = lax.axis_index("s")
    wid = sid * NC + cid
    own = wid * CHUNK
    base = jnp.minimum(own, NUM_ASSIGN - CHUNK)

    ct0 = pltpu.async_copy(hr_hbm, hr_tab, sem_tab)
    ct1 = pltpu.async_copy(
        sc_hbm.at[pl.ds(B * H * 2 * GY * GX, 2 * NUM_OBJ)], sc_tab, sem_tab)
    ci0 = pltpu.async_copy(obj_hbm.at[pl.ds(base, CHUNK)], obj_v, sem_idx)
    ci1 = pltpu.async_copy(img_hbm.at[pl.ds(base, CHUNK)], img_v, sem_idx)
    ci2 = pltpu.async_copy(head_hbm.at[pl.ds(base, CHUNK)], head_v, sem_idx)
    ci3 = pltpu.async_copy(gy_hbm.at[pl.ds(base, CHUNK)], gy_v, sem_idx)
    ci4 = pltpu.async_copy(gx_hbm.at[pl.ds(base, CHUNK)], gx_v, sem_idx)
    ci0.wait()
    ci1.wait()
    ci2.wait()
    ci3.wait()
    ci4.wait()

    @plsc.parallel_loop(0, NV, 1, unroll=2)
    def idx_body(i):
        sl = pl.ds(i * L, L)
        flat = ((img_v[sl] * H + head_v[sl]) * 2) * (GY * GX) \
            + gy_v[sl] * GX + gx_v[sl]
        ip_v[sl] = flat
        ip_v[pl.ds(CHUNK + i * L, L)] = flat + GY * GX

    cp = pltpu.async_copy(pred_hbm.at[ip_v], p_v, sem_tab)
    ct0.wait()
    ct1.wait()
    cp.wait()

    iota = lax.iota(jnp.int32, L)

    @plsc.parallel_loop(0, NV, 1, unroll=2,
                        carry=jnp.zeros((L,), jnp.float32))
    def red_body(i, acc):
        sl = pl.ds(i * L, L)
        obj = obj_v[sl]
        hr = plsc.load_gather(hr_tab, [obj])
        t0 = plsc.load_gather(sc_tab, [obj])
        t1 = plsc.load_gather(sc_tab, [obj + NUM_OBJ])
        pos = base + i * L + iota
        m = (hr != 0) & (pos >= own)
        d0 = t0 - p_v[sl]
        d1 = t1 - p_v[pl.ds(CHUNK + i * L, L)]
        return acc + jnp.where(m, d0 * d0 + d1 * d1, 0.0)

    acc_v[:] = red_body
    pltpu.sync_copy(acc_v, out_hbm.at[wid])


@jax.jit
def _sc_loss(pred_flat, has_rotation, sc_flat, obj, img, head, gy, gx):
    mesh = plsc.VectorSubcoreMesh(core_axis_name="c", subcore_axis_name="s")
    run = functools.partial(
        pl.kernel,
        mesh=mesh,
        compiler_params=pltpu.CompilerParams(needs_layout_passes=False),
        out_type=jax.ShapeDtypeStruct((NW, L), jnp.float32),
        scratch_types=[
            pltpu.VMEM((NUM_OBJ,), jnp.int32),
            pltpu.VMEM((2 * NUM_OBJ,), jnp.float32),
            pltpu.VMEM((CHUNK,), jnp.int32),
            pltpu.VMEM((CHUNK,), jnp.int32),
            pltpu.VMEM((CHUNK,), jnp.int32),
            pltpu.VMEM((CHUNK,), jnp.int32),
            pltpu.VMEM((CHUNK,), jnp.int32),
            pltpu.VMEM((2 * CHUNK,), jnp.int32),
            pltpu.VMEM((2 * CHUNK,), jnp.float32),
            pltpu.VMEM((L,), jnp.float32),
            pltpu.SemaphoreType.DMA,
            pltpu.SemaphoreType.DMA,
        ],
    )(_sc_body)
    out = run(pred_flat, has_rotation, sc_flat, obj, img, head, gy, gx)
    return jnp.sum(out)


def kernel(post_activation_sincos, has_rotation, sincos, object_idxs,
           img_idxs, head_idxs, grid_y_idxs, grid_x_idxs):
    table = jnp.concatenate(
        [post_activation_sincos.reshape(-1), sincos.T.reshape(-1)])
    return _sc_loss(table, has_rotation, table, object_idxs, img_idxs,
                    head_idxs, grid_y_idxs, grid_x_idxs)

# --- scband reference (transcript-rebuilt; emitter-appended) ---
"""Pipeline reference for scband-sin-cos-loss-43946105373126 (READ-ONLY COPY).

The authoritative reference and input builder live on the scoring server;
editing this copy changes nothing except your own understanding.
"""

import jax, jax.numpy as jnp
import numpy as np

B, H, GY, GX = 16, 4, 64, 64
NUM_OBJ = 5000
NUM_ASSIGN = 20000


def setup_inputs(seed: int = 0) -> dict:
    key = jax.random.key(seed)
    ks = jax.random.split(key, 8)
    post_activation_sincos = jax.random.normal(ks[0], (B, H, 2, GY, GX), dtype=jnp.float32)
    has_rotation = jax.random.randint(ks[1], (NUM_OBJ,), 0, 2, dtype=jnp.int64 if jax.config.jax_enable_x64 else jnp.int32).astype(jnp.int32)
    sincos = jax.random.normal(ks[2], (NUM_OBJ, 2), dtype=jnp.float32)
    object_idxs = jax.random.randint(ks[3], (NUM_ASSIGN,), 0, NUM_OBJ, dtype=jnp.int32)
    img_idxs = jax.random.randint(ks[4], (NUM_ASSIGN,), 0, B, dtype=jnp.int32)
    head_idxs = jax.random.randint(ks[5], (NUM_ASSIGN,), 0, H, dtype=jnp.int32)
    grid_y_idxs = jax.random.randint(ks[6], (NUM_ASSIGN,), 0, GY, dtype=jnp.int32)
    grid_x_idxs = jax.random.randint(ks[7], (NUM_ASSIGN,), 0, GX, dtype=jnp.int32)
    return {
        "post_activation_sincos": post_activation_sincos,
        "has_rotation": has_rotation,
        "sincos": sincos,
        "object_idxs": object_idxs,
        "img_idxs": img_idxs,
        "head_idxs": head_idxs,
        "grid_y_idxs": grid_y_idxs,
        "grid_x_idxs": grid_x_idxs,
    }


def reference(post_activation_sincos, has_rotation, sincos, object_idxs, img_idxs, head_idxs, grid_y_idxs, grid_x_idxs):
    # bitmap of assignments whose target object has a rotation annotation
    valid = jnp.take(has_rotation, object_idxs, axis=0).astype(jnp.bool_)
    # gather target sincos for every assignment (invalid ones masked out below;
    # equivalent to extract_bitmap filtering followed by sum)
    true_sincos = jnp.take(sincos, object_idxs, axis=0)  # (A, 2)
    # gather predicted sincos at assigned grid cells: advanced indexing with a
    # slice in the middle puts the assignment axis first -> (A, 2)
    predicted_sincos = post_activation_sincos[img_idxs, head_idxs, :, grid_y_idxs, grid_x_idxs]
    distances_sqrd = jnp.square(true_sincos - predicted_sincos)  # (A, 2)
    mask = valid.astype(distances_sqrd.dtype)[:, None]
    return jnp.sum(distances_sqrd * mask)

if __name__ == "__main__":
    import jax
    _d = setup_inputs()
    print(jax.jit(kernel)(*tuple(_d.values())))

</pallas_src>

<mosaic_0001>
#map = affine_map<(d0, d1) -> (0)>
#map1 = affine_map<(d0, d1) -> (0, 0)>
module attributes {stable_mosaic.version = 14 : i64} {
  func.func @_sc_body(%arg0: i32, %arg1: i32, %arg2: memref<534288xf32, #tpu.memory_space<hbm>>, %arg3: memref<5000xi32, #tpu.memory_space<hbm>>, %arg4: memref<534288xf32, #tpu.memory_space<hbm>>, %arg5: memref<20000xi32, #tpu.memory_space<hbm>>, %arg6: memref<20000xi32, #tpu.memory_space<hbm>>, %arg7: memref<20000xi32, #tpu.memory_space<hbm>>, %arg8: memref<20000xi32, #tpu.memory_space<hbm>>, %arg9: memref<20000xi32, #tpu.memory_space<hbm>>, %arg10: memref<32x16xf32, #tpu.memory_space<hbm>>, %arg11: memref<5000xi32, #tpu.memory_space<vmem>>, %arg12: memref<10000xf32, #tpu.memory_space<vmem>>, %arg13: memref<640xi32, #tpu.memory_space<vmem>>, %arg14: memref<640xi32, #tpu.memory_space<vmem>>, %arg15: memref<640xi32, #tpu.memory_space<vmem>>, %arg16: memref<640xi32, #tpu.memory_space<vmem>>, %arg17: memref<640xi32, #tpu.memory_space<vmem>>, %arg18: memref<1280xi32, #tpu.memory_space<vmem>>, %arg19: memref<1280xf32, #tpu.memory_space<vmem>>, %arg20: memref<16xf32, #tpu.memory_space<vmem>>, %arg21: memref<!tpu.dma_semaphore, #tpu.memory_space<semaphore_mem>>, %arg22: memref<!tpu.dma_semaphore, #tpu.memory_space<semaphore_mem>>) attributes {dimension_semantics = [#tpu.dimension_semantics<core_parallel>, #tpu.dimension_semantics<subcore_parallel>], iteration_bounds = array<i64: 2, 16>, scalar_prefetch = 0 : i64, scratch_operands = 12 : i64, tpu.core_type = #tpu.core_type<sc_vector_subcore>, window_params = [{transform_indices = #map}, {transform_indices = #map}, {transform_indices = #map}, {transform_indices = #map}, {transform_indices = #map}, {transform_indices = #map}, {transform_indices = #map}, {transform_indices = #map}, {transform_indices = #map1}]} {
    %mul3A = arith.constant 2 : i32
    %mul3A_0 = arith.muli %arg1, %mul3A : i32
    %add3A = arith.addi %mul3A_0, %arg0 : i32
    %mul3A_1 = arith.constant 640 : i32
    %mul3A_2 = arith.muli %add3A, %mul3A_1 : i32
    %min3A = arith.constant 19360 : i32
    %min3A_3 = arith.minsi %mul3A_2, %min3A : i32
    tpu.enqueue_dma source(%arg3 : memref<5000xi32, #tpu.memory_space<hbm>>) target(%arg11 : memref<5000xi32, #tpu.memory_space<vmem>>) target_semaphore(%arg22 : memref<!tpu.dma_semaphore, #tpu.memory_space<semaphore_mem>>)
    %dma_start3A = arith.constant 524288 : i32
    %dma_start3A_4 = tpu.memref_slice %arg4[%dma_start3A] : memref<534288xf32, #tpu.memory_space<hbm>> -> memref<10000xf32, #tpu.memory_space<hbm>>
    %dma_start3A_5 = arith.constant 524288 : i32
    %dma_start3A_6 = tpu.memref_slice %arg4[%dma_start3A_5] : memref<534288xf32, #tpu.memory_space<hbm>> -> memref<10000xf32, #tpu.memory_space<hbm>>
    tpu.enqueue_dma source(%dma_start3A_6 : memref<10000xf32, #tpu.memory_space<hbm>>) target(%arg12 : memref<10000xf32, #tpu.memory_space<vmem>>) target_semaphore(%arg22 : memref<!tpu.dma_semaphore, #tpu.memory_space<semaphore_mem>>)
    %dma_start3A_7 = tpu.memref_slice %arg5[%min3A_3] : memref<20000xi32, #tpu.memory_space<hbm>> -> memref<640xi32, #tpu.memory_space<hbm>>
    %dma_start3A_8 = tpu.memref_slice %arg5[%min3A_3] : memref<20000xi32, #tpu.memory_space<hbm>> -> memref<640xi32, #tpu.memory_space<hbm>>
    tpu.enqueue_dma source(%dma_start3A_8 : memref<640xi32, #tpu.memory_space<hbm>>) target(%arg13 : memref<640xi32, #tpu.memory_space<vmem>>) target_semaphore(%arg21 : memref<!tpu.dma_semaphore, #tpu.memory_space<semaphore_mem>>)
    %dma_start3A_9 = tpu.memref_slice %arg6[%min3A_3] : memref<20000xi32, #tpu.memory_space<hbm>> -> memref<640xi32, #tpu.memory_space<hbm>>
    %dma_start3A_10 = tpu.memref_slice %arg6[%min3A_3] : memref<20000xi32, #tpu.memory_space<hbm>> -> memref<640xi32, #tpu.memory_space<hbm>>
    tpu.enqueue_dma source(%dma_start3A_10 : memref<640xi32, #tpu.memory_space<hbm>>) target(%arg14 : memref<640xi32, #tpu.memory_space<vmem>>) target_semaphore(%arg21 : memref<!tpu.dma_semaphore, #tpu.memory_space<semaphore_mem>>)
    %dma_start3A_11 = tpu.memref_slice %arg7[%min3A_3] : memref<20000xi32, #tpu.memory_space<hbm>> -> memref<640xi32, #tpu.memory_space<hbm>>
    %dma_start3A_12 = tpu.memref_slice %arg7[%min3A_3] : memref<20000xi32, #tpu.memory_space<hbm>> -> memref<640xi32, #tpu.memory_space<hbm>>
    tpu.enqueue_dma source(%dma_start3A_12 : memref<640xi32, #tpu.memory_space<hbm>>) target(%arg15 : memref<640xi32, #tpu.memory_space<vmem>>) target_semaphore(%arg21 : memref<!tpu.dma_semaphore, #tpu.memory_space<semaphore_mem>>)
    %dma_start3A_13 = tpu.memref_slice %arg8[%min3A_3] : memref<20000xi32, #tpu.memory_space<hbm>> -> memref<640xi32, #tpu.memory_space<hbm>>
    %dma_start3A_14 = tpu.memref_slice %arg8[%min3A_3] : memref<20000xi32, #tpu.memory_space<hbm>> -> memref<640xi32, #tpu.memory_space<hbm>>
    tpu.enqueue_dma source(%dma_start3A_14 : memref<640xi32, #tpu.memory_space<hbm>>) target(%arg16 : memref<640xi32, #tpu.memory_space<vmem>>) target_semaphore(%arg21 : memref<!tpu.dma_semaphore, #tpu.memory_space<semaphore_mem>>)
    %dma_start3A_15 = tpu.memref_slice %arg9[%min3A_3] : memref<20000xi32, #tpu.memory_space<hbm>> -> memref<640xi32, #tpu.memory_space<hbm>>
    %dma_start3A_16 = tpu.memref_slice %arg9[%min3A_3] : memref<20000xi32, #tpu.memory_space<hbm>> -> memref<640xi32, #tpu.memory_space<hbm>>
    tpu.enqueue_dma source(%dma_start3A_16 : memref<640xi32, #tpu.memory_space<hbm>>) target(%arg17 : memref<640xi32, #tpu.memory_space<vmem>>) target_semaphore(%arg21 : memref<!tpu.dma_semaphore, #tpu.memory_space<semaphore_mem>>)
    %dma_wait3A = tpu.memref_slice %arg5[%min3A_3] : memref<20000xi32, #tpu.memory_space<hbm>> -> memref<640xi32, #tpu.memory_space<hbm>>
    %dma_wait3A_17 = tpu.memref_slice %arg5[%min3A_3] : memref<20000xi32, #tpu.memory_space<hbm>> -> memref<640xi32, #tpu.memory_space<hbm>>
    tpu.wait_dma2 semaphore(%arg21 : memref<!tpu.dma_semaphore, #tpu.memory_space<semaphore_mem>>) src(%dma_wait3A_17 : memref<640xi32, #tpu.memory_space<hbm>>) dst(%arg13 : memref<640xi32, #tpu.memory_space<vmem>>)
    %dma_wait3A_18 = tpu.memref_slice %arg6[%min3A_3] : memref<20000xi32, #tpu.memory_space<hbm>> -> memref<640xi32, #tpu.memory_space<hbm>>
    %dma_wait3A_19 = tpu.memref_slice %arg6[%min3A_3] : memref<20000xi32, #tpu.memory_space<hbm>> -> memref<640xi32, #tpu.memory_space<hbm>>
    tpu.wait_dma2 semaphore(%arg21 : memref<!tpu.dma_semaphore, #tpu.memory_space<semaphore_mem>>) src(%dma_wait3A_19 : memref<640xi32, #tpu.memory_space<hbm>>) dst(%arg14 : memref<640xi32, #tpu.memory_space<vmem>>)
    %dma_wait3A_20 = tpu.memref_slice %arg7[%min3A_3] : memref<20000xi32, #tpu.memory_space<hbm>> -> memref<640xi32, #tpu.memory_space<hbm>>
    %dma_wait3A_21 = tpu.memref_slice %arg7[%min3A_3] : memref<20000xi32, #tpu.memory_space<hbm>> -> memref<640xi32, #tpu.memory_space<hbm>>
    tpu.wait_dma2 semaphore(%arg21 : memref<!tpu.dma_semaphore, #tpu.memory_space<semaphore_mem>>) src(%dma_wait3A_21 : memref<640xi32, #tpu.memory_space<hbm>>) dst(%arg15 : memref<640xi32, #tpu.memory_space<vmem>>)
    %dma_wait3A_22 = tpu.memref_slice %arg8[%min3A_3] : memref<20000xi32, #tpu.memory_space<hbm>> -> memref<640xi32, #tpu.memory_space<hbm>>
    %dma_wait3A_23 = tpu.memref_slice %arg8[%min3A_3] : memref<20000xi32, #tpu.memory_space<hbm>> -> memref<640xi32, #tpu.memory_space<hbm>>
    tpu.wait_dma2 semaphore(%arg21 : memref<!tpu.dma_semaphore, #tpu.memory_space<semaphore_mem>>) src(%dma_wait3A_23 : memref<640xi32, #tpu.memory_space<hbm>>) dst(%arg16 : memref<640xi32, #tpu.memory_space<vmem>>)
    %dma_wait3A_24 = tpu.memref_slice %arg9[%min3A_3] : memref<20000xi32, #tpu.memory_space<hbm>> -> memref<640xi32, #tpu.memory_space<hbm>>
    %dma_wait3A_25 = tpu.memref_slice %arg9[%min3A_3] : memref<20000xi32, #tpu.memory_space<hbm>> -> memref<640xi32, #tpu.memory_space<hbm>>
    tpu.wait_dma2 semaphore(%arg21 : memref<!tpu.dma_semaphore, #tpu.memory_space<semaphore_mem>>) src(%dma_wait3A_25 : memref<640xi32, #tpu.memory_space<hbm>>) dst(%arg17 : memref<640xi32, #tpu.memory_space<vmem>>)
    %parallel_loop3A = arith.constant 0 : i32
    %parallel_loop3A_26 = arith.constant 40 : i32
    %parallel_loop3A_27 = arith.constant 1 : i32
    scf.for %parallel_loop3A_42 = %parallel_loop3A to %parallel_loop3A_26 step %parallel_loop3A_27  : i32 {
      %parallel_loop3A_43 = arith.constant 16 : i32
      %parallel_loop3A_44 = arith.muli %parallel_loop3A_42, %parallel_loop3A_43 : i32
      %parallel_loop3A_45 = arith.index_cast %parallel_loop3A_44 : i32 to index
      %parallel_loop3A_46 = tpu.vector_load %arg14[%parallel_loop3A_45] {strides = array<i32>} : memref<640xi32, #tpu.memory_space<vmem>>, vector<16xi32>,
      %parallel_loop3A_47 = arith.constant 4 : i32
      %parallel_loop3A_48 = vector.broadcast %parallel_loop3A_47 : i32 to vector<16xi32>
      %parallel_loop3A_49 = arith.muli %parallel_loop3A_46, %parallel_loop3A_48 : vector<16xi32>
      %parallel_loop3A_50 = arith.index_cast %parallel_loop3A_44 : i32 to index
      %parallel_loop3A_51 = tpu.vector_load %arg15[%parallel_loop3A_50] {strides = array<i32>} : memref<640xi32, #tpu.memory_space<vmem>>, vector<16xi32>,
      %parallel_loop3A_52 = arith.addi %parallel_loop3A_49, %parallel_loop3A_51 : vector<16xi32>
      %parallel_loop3A_53 = arith.constant 2 : i32
      %parallel_loop3A_54 = vector.broadcast %parallel_loop3A_53 : i32 to vector<16xi32>
      %parallel_loop3A_55 = arith.muli %parallel_loop3A_52, %parallel_loop3A_54 : vector<16xi32>
      %parallel_loop3A_56 = arith.constant 4096 : i32
      %parallel_loop3A_57 = vector.broadcast %parallel_loop3A_56 : i32 to vector<16xi32>
      %parallel_loop3A_58 = arith.muli %parallel_loop3A_55, %parallel_loop3A_57 : vector<16xi32>
      %parallel_loop3A_59 = arith.index_cast %parallel_loop3A_44 : i32 to index
      %parallel_loop3A_60 = tpu.vector_load %arg16[%parallel_loop3A_59] {strides = array<i32>} : memref<640xi32, #tpu.memory_space<vmem>>, vector<16xi32>,
      %parallel_loop3A_61 = arith.constant 64 : i32
      %parallel_loop3A_62 = vector.broadcast %parallel_loop3A_61 : i32 to vector<16xi32>
      %parallel_loop3A_63 = arith.muli %parallel_loop3A_60, %parallel_loop3A_62 : vector<16xi32>
      %parallel_loop3A_64 = arith.addi %parallel_loop3A_58, %parallel_loop3A_63 : vector<16xi32>
      %parallel_loop3A_65 = arith.index_cast %parallel_loop3A_44 : i32 to index
      %parallel_loop3A_66 = tpu.vector_load %arg17[%parallel_loop3A_65] {strides = array<i32>} : memref<640xi32, #tpu.memory_space<vmem>>, vector<16xi32>,
      %parallel_loop3A_67 = arith.addi %parallel_loop3A_64, %parallel_loop3A_66 : vector<16xi32>
      %parallel_loop3A_68 = arith.index_cast %parallel_loop3A_44 : i32 to index
      %parallel_loop3A_69 = tpu.vector_load %arg18[%parallel_loop3A_68] {strides = array<i32>} : memref<1280xi32, #tpu.memory_space<vmem>>, vector<16xi32>,
      tpu.vector_store %arg18[%parallel_loop3A_68], %parallel_loop3A_67 {strides = array<i32>} : memref<1280xi32, #tpu.memory_space<vmem>>, vector<16xi32>,
      %parallel_loop3A_70 = arith.constant 4096 : i32
      %parallel_loop3A_71 = vector.broadcast %parallel_loop3A_70 : i32 to vector<16xi32>
      %parallel_loop3A_72 = arith.addi %parallel_loop3A_67, %parallel_loop3A_71 : vector<16xi32>
      %parallel_loop3A_73 = arith.constant 16 : i32
      %parallel_loop3A_74 = arith.muli %parallel_loop3A_42, %parallel_loop3A_73 : i32
      %parallel_loop3A_75 = arith.constant 640 : i32
      %parallel_loop3A_76 = arith.addi %parallel_loop3A_75, %parallel_loop3A_74 : i32
      %parallel_loop3A_77 = arith.index_cast %parallel_loop3A_76 : i32 to index
      %parallel_loop3A_78 = tpu.vector_load %arg18[%parallel_loop3A_77] {strides = array<i32>} : memref<1280xi32, #tpu.memory_space<vmem>>, vector<16xi32>,
      tpu.vector_store %arg18[%parallel_loop3A_77], %parallel_loop3A_72 {strides = array<i32>} : memref<1280xi32, #tpu.memory_space<vmem>>, vector<16xi32>,
    } {sc.loop_unroll_factor = 2 : i64, sc.parallel_access}
    %dma_start3A_28 = arith.constant 0 : i32
    %dma_start3A_29 = tpu.memref_slice %arg2[%dma_start3A_28] : memref<534288xf32, #tpu.memory_space<hbm>> -> memref<534288xf32, #tpu.memory_space<hbm>>
    tpu.enqueue_indirect_dma source(%dma_start3A_29 : memref<534288xf32, #tpu.memory_space<hbm>>) target(%arg19 : memref<1280xf32, #tpu.memory_space<vmem>>) offsets(%arg18 : memref<1280xi32, #tpu.memory_space<vmem>>) semaphore(%arg22 : memref<!tpu.dma_semaphore, #tpu.memory_space<semaphore_mem>>)
    tpu.wait_dma2 semaphore(%arg22 : memref<!tpu.dma_semaphore, #tpu.memory_space<semaphore_mem>>) src(%arg3 : memref<5000xi32, #tpu.memory_space<hbm>>) dst(%arg11 : memref<5000xi32, #tpu.memory_space<vmem>>)
    %dma_wait3A_30 = arith.constant 524288 : i32
    %dma_wait3A_31 = tpu.memref_slice %arg4[%dma_wait3A_30] : memref<534288xf32, #tpu.memory_space<hbm>> -> memref<10000xf32, #tpu.memory_space<hbm>>
    %dma_wait3A_32 = arith.constant 524288 : i32
    %dma_wait3A_33 = tpu.memref_slice %arg4[%dma_wait3A_32] : memref<534288xf32, #tpu.memory_space<hbm>> -> memref<10000xf32, #tpu.memory_space<hbm>>
    tpu.wait_dma2 semaphore(%arg22 : memref<!tpu.dma_semaphore, #tpu.memory_space<semaphore_mem>>) src(%dma_wait3A_33 : memref<10000xf32, #tpu.memory_space<hbm>>) dst(%arg12 : memref<10000xf32, #tpu.memory_space<vmem>>)
    %dma_wait3A_34 = arith.constant 0 : i32
    %dma_wait3A_35 = tpu.memref_slice %arg2[%dma_wait3A_34] : memref<534288xf32, #tpu.memory_space<hbm>> -> memref<534288xf32, #tpu.memory_space<hbm>>
    tpu.wait_indirect_dma semaphore(%arg22 : memref<!tpu.dma_semaphore, #tpu.memory_space<semaphore_mem>>) src(%dma_wait3A_35 : memref<534288xf32, #tpu.memory_space<hbm>>) dst(%arg19 : memref<1280xf32, #tpu.memory_space<vmem>>)
    %iota3A = tpu.iota {dimensions = array<i32: 0>} : vector<16xi32>
    %broadcast_in_dim3A = arith.constant 0.000000e+00 : f32
    %broadcast_in_dim3A_36 = vector.broadcast %broadcast_in_dim3A : f32 to vector<16xf32>
    %parallel_loop3A_37 = arith.constant 0 : i32
    %parallel_loop3A_38 = arith.constant 40 : i32
    %parallel_loop3A_39 = arith.constant 1 : i32
    %parallel_loop3A_40 = scf.for %parallel_loop3A_42 = %parallel_loop3A_37 to %parallel_loop3A_38 step %parallel_loop3A_39 iter_args(%parallel_loop3A_43 = %broadcast_in_dim3A_36) -> (vector<16xf32>)  : i32 {
      %parallel_loop3A_44 = arith.constant 16 : i32
      %parallel_loop3A_45 = arith.muli %parallel_loop3A_42, %parallel_loop3A_44 : i32
      %parallel_loop3A_46 = arith.index_cast %parallel_loop3A_45 : i32 to index
      %parallel_loop3A_47 = tpu.vector_load %arg13[%parallel_loop3A_46] {strides = array<i32>} : memref<640xi32, #tpu.memory_space<vmem>>, vector<16xi32>,
      %parallel_loop3A_48 = tpu.vector_load_idx %arg11[%parallel_loop3A_47] : memref<5000xi32, #tpu.memory_space<vmem>>[vector<16xi32>], vector<16xi32>,
      %parallel_loop3A_49 = tpu.vector_load_idx %arg12[%parallel_loop3A_47] : memref<10000xf32, #tpu.memory_space<vmem>>[vector<16xi32>], vector<16xf32>,
      %parallel_loop3A_50 = arith.constant 5000 : i32
      %parallel_loop3A_51 = vector.broadcast %parallel_loop3A_50 : i32 to vector<16xi32>
      %parallel_loop3A_52 = arith.addi %parallel_loop3A_47, %parallel_loop3A_51 : vector<16xi32>
      %parallel_loop3A_53 = tpu.vector_load_idx %arg12[%parallel_loop3A_52] : memref<10000xf32, #tpu.memory_space<vmem>>[vector<16xi32>], vector<16xf32>,
      %parallel_loop3A_54 = arith.constant 16 : i32
      %parallel_loop3A_55 = arith.muli %parallel_loop3A_42, %parallel_loop3A_54 : i32
      %parallel_loop3A_56 = arith.addi %min3A_3, %parallel_loop3A_55 : i32
      %parallel_loop3A_57 = vector.broadcast %parallel_loop3A_56 : i32 to vector<16xi32>
      %parallel_loop3A_58 = arith.addi %parallel_loop3A_57, %iota3A : vector<16xi32>
      %parallel_loop3A_59 = arith.constant 0 : i32
      %parallel_loop3A_60 = vector.broadcast %parallel_loop3A_59 : i32 to vector<16xi32>
      %parallel_loop3A_61 = arith.cmpi ne, %parallel_loop3A_48, %parallel_loop3A_60 : vector<16xi32>
      %parallel_loop3A_62 = vector.broadcast %mul3A_2 : i32 to vector<16xi32>
      %parallel_loop3A_63 = arith.cmpi sge, %parallel_loop3A_58, %parallel_loop3A_62 : vector<16xi32>
      %parallel_loop3A_64 = arith.andi %parallel_loop3A_61, %parallel_loop3A_63 : vector<16xi1>
      %parallel_loop3A_65 = arith.index_cast %parallel_loop3A_45 : i32 to index
      %parallel_loop3A_66 = tpu.vector_load %arg19[%parallel_loop3A_65] {strides = array<i32>} : memref<1280xf32, #tpu.memory_space<vmem>>, vector<16xf32>,
      %parallel_loop3A_67 = arith.subf %parallel_loop3A_49, %parallel_loop3A_66 : vector<16xf32>
      %parallel_loop3A_68 = arith.constant 16 : i32
      %parallel_loop3A_69 = arith.muli %parallel_loop3A_42, %parallel_loop3A_68 : i32
      %parallel_loop3A_70 = arith.constant 640 : i32
      %parallel_loop3A_71 = arith.addi %parallel_loop3A_70, %parallel_loop3A_69 : i32
      %parallel_loop3A_72 = arith.index_cast %parallel_loop3A_71 : i32 to index
      %parallel_loop3A_73 = tpu.vector_load %arg19[%parallel_loop3A_72] {strides = array<i32>} : memref<1280xf32, #tpu.memory_space<vmem>>, vector<16xf32>,
      %parallel_loop3A_74 = arith.subf %parallel_loop3A_53, %parallel_loop3A_73 : vector<16xf32>
      %parallel_loop3A_75 = arith.mulf %parallel_loop3A_67, %parallel_loop3A_67 : vector<16xf32>
      %parallel_loop3A_76 = arith.mulf %parallel_loop3A_74, %parallel_loop3A_74 : vector<16xf32>
      %parallel_loop3A_77 = arith.addf %parallel_loop3A_75, %parallel_loop3A_76 : vector<16xf32>
      %parallel_loop3A_78 = arith.constant 0.000000e+00 : f32
      %parallel_loop3A_79 = vector.broadcast %parallel_loop3A_78 : f32 to vector<16xf32>
      %parallel_loop3A_80 = arith.select %parallel_loop3A_64, %parallel_loop3A_77, %parallel_loop3A_79 : vector<16xi1>, vector<16xf32>
      %parallel_loop3A_81 = arith.addf %parallel_loop3A_43, %parallel_loop3A_80 : vector<16xf32>
      scf.yield %parallel_loop3A_81 : vector<16xf32>
    } {sc.loop_unroll_factor = 2 : i64, sc.parallel_access}
    %swap3A = arith.constant 0 : index
    %swap3A_41 = tpu.vector_load %arg20[%swap3A] {strides = array<i32>} : memref<16xf32, #tpu.memory_space<vmem>>, vector<16xf32>,
    tpu.vector_store %arg20[%swap3A], %parallel_loop3A_40 {strides = array<i32>} : memref<16xf32, #tpu.memory_space<vmem>>, vector<16xf32>,
    "tpu.region"() ({
      %run_scoped3A = tpu.sem_alloc : memref<!tpu.dma_semaphore, #tpu.memory_space<semaphore_mem>>
      %dma_start3A_42 = arith.constant 0 : i32
      %dma_start3A_43 = tpu.memref_slice %arg10[%add3A, %dma_start3A_42] : memref<32x16xf32, #tpu.memory_space<hbm>> -> memref<1x16xf32, #tpu.memory_space<hbm>>
      %dma_start3A_44 = tpu.memref_squeeze %dma_start3A_43 : memref<1x16xf32, #tpu.memory_space<hbm>> -> memref<16xf32, #tpu.memory_space<hbm>>
      %dma_start3A_45 = arith.constant 0 : i32
      %dma_start3A_46 = tpu.memref_slice %arg10[%add3A, %dma_start3A_45] : memref<32x16xf32, #tpu.memory_space<hbm>> -> memref<1x16xf32, #tpu.memory_space<hbm>>
      %dma_start3A_47 = tpu.memref_squeeze %dma_start3A_46 : memref<1x16xf32, #tpu.memory_space<hbm>> -> memref<16xf32, #tpu.memory_space<hbm>>
      tpu.enqueue_dma source(%arg20 : memref<16xf32, #tpu.memory_space<vmem>>) target(%dma_start3A_47 : memref<16xf32, #tpu.memory_space<hbm>>) target_semaphore(%run_scoped3A : memref<!tpu.dma_semaphore, #tpu.memory_space<semaphore_mem>>)
      %dma_wait3A_48 = arith.constant 0 : i32
      %dma_wait3A_49 = tpu.memref_slice %arg10[%add3A, %dma_wait3A_48] : memref<32x16xf32, #tpu.memory_space<hbm>> -> memref<1x16xf32, #tpu.memory_space<hbm>>
      %dma_wait3A_50 = tpu.memref_squeeze %dma_wait3A_49 : memref<1x16xf32, #tpu.memory_space<hbm>> -> memref<16xf32, #tpu.memory_space<hbm>>
      %dma_wait3A_51 = arith.constant 0 : i32
      %dma_wait3A_52 = tpu.memref_slice %arg10[%add3A, %dma_wait3A_51] : memref<32x16xf32, #tpu.memory_space<hbm>> -> memref<1x16xf32, #tpu.memory_space<hbm>>
      %dma_wait3A_53 = tpu.memref_squeeze %dma_wait3A_52 : memref<1x16xf32, #tpu.memory_space<hbm>> -> memref<16xf32, #tpu.memory_space<hbm>>
      tpu.wait_dma2 semaphore(%run_scoped3A : memref<!tpu.dma_semaphore, #tpu.memory_space<semaphore_mem>>) src(%arg20 : memref<16xf32, #tpu.memory_space<vmem>>) dst(%dma_wait3A_53 : memref<16xf32, #tpu.memory_space<hbm>>)
      tpu.yield
    }) : () -> ()
    return
  }
}

</mosaic_0001>

<sc_bundles>
// kernel: _sc_loss.3.cloned.1.call-start
scs
__scs_entry_jumppad:
0x0: {  	(pc) =	sbr.rel $0x88, $3  }
0x1: {  	(tag) =	ssettag $0x0;
	lr =	simm.s32 $0x1  }
0x2: {  	[smem:$0x3F99] =	sst lr;
	_ =	strace $0xD0000000  }
0x3: {  	_ = 	snop  }
0x4: {  	_ = 	snop  }
0x5: {  	_ = 	snop  }
0x6: {  	_ = 	snop  }
0x7: {  	_ = 	snop  }
__scs_overlays_trampoline_lowered:
0x8: {  	[smem:$0x3FA8] =	sst s0  }
0x9: {  	[smem:$0x3FA9] =	sst s1  }
0xa: {  	[smem:$0x3FAA] =	sst s2  }
0xb: {  	[smem:$0x3FAB] =	sst s3  }
0xc: {  	[smem:$0x3FAC] =	sst s4  }
0xd: {  	[smem:$0x3FAD] =	sst s5  }
0xe: {  	[smem:$0x3FAE] =	sst s6  }
0xf: {  	[smem:$0x3FAF] =	sst s7  }
0x10: {  	[smem:$0x3FB0] =	sst s8  }
0x11: {  	[smem:$0x3FB1] =	sst s9;
	s0 =	simm.s32 @!p0 $0x0  }
0x12: {  	s1 =	sld [smem:$0x3F97];
	s0 =	simm.s32 @p0 $0x1  }
0x13: {  	[smem:$0x3FB2] =	sst s0;
	s0 =	simm.s32 @!p1 $0x0  }
0x14: {  	s2 =	sld [smem:$0x3F96];
	s0 =	simm.s32 @p1 $0x1  }
0x15: {  	[smem:$0x3FB3] =	sst s0;
	s0 =	simm.s32 @!p2 $0x0  }
0x16: {  	s3 =	sld [smem:$0x3FDB];
	s0 =	simm.s32 @p2 $0x1  }
0x17: {  	s4 =	simm.s32 $0x1BF5;
	[smem:$0x3FB5] =	sst s0  }
0x18: {  	s0 =	sld [smem:$0x3F98];
	_ =	swait.ge [sflag:s4], $0x0  }
0x19: {  	s7 =	sld [smem:$0x3F99]  }
0x1a: {  	s8 =	sadd.s32 $0xFFFFE003, lr  }
0x1b: {  	s9 =	sadd.s32 $0xFFFFFEF7, lr;
	s5 =	simm.s32 $0xFFFFFFFF;
	p2 =	slt.u32 s8, $0xFFFFF086  }
0x1c: {  	p1 =	slt.u32 s9, $0xF7A;
	s5 =	simm.s32 @!p2 $0x0  }
0x1d: {  	s5 =	simm.s32 @p1 $0x1;
	p0 =	seq.s32 s7, s2  }
0x1e: {  	s7 =	smul.u32 @!p0 $0xF7A, s2;
	p2 =	seq.s32 @!p0 s5, $0x0  }
0x1f: {  	s9 =	smul.u32 $0xF7A, s1;
	s8 =	simm.s32 @!p0 $0x1BF5;
	p2 =	por !p2, p0  }
0x20: {  	[sflag:s8] =	ssyncset.s32 @!p0 $0xFFFFF086;
	s6 =	sadd.s32 @!p0 s3, s7;
	s7 =	simm.s32 @!p0 $0x108  }
0x21: {  	s3 =	sadd.s32 s3, s9;
	s6 =	sadd.s32 @!p0 $0x88, s6;
	s7 =	simm.s32 @p2 $0x1082  }
0x22: {  	[simem:s7], [sflag:s8] =	dma.local @!p0 [hbm:s6], $0xF7A  }
0x23: {  	s9 =	sor.u32 $0xD0000000, s2;
	s6 =	simm.s32 $0x108;
	_ =	swait.ge @!p0 [sflag:s8], $0x0  }
0x24: {  	s3 =	sadd.s32 $0x88, s3;
	s6 =	simm.s32 @!p1 $0x1082;
	[sflag:s4] =	ssyncset.s32 $0xFFFFF086  }
0x25: {  	[simem:s6], [sflag:s4] =	dma.local [hbm:s3], $0xF7A  }
0x26: {  	[smem:$0x3F99] =	sst s1;
	(tag) =	ssettag s2;
	_ =	strace s9  }
0x27: {  	s1 =	sld [smem:$0x3FA9]  }
0x28: {  	s2 =	sld [smem:$0x3FAA]  }
0x29: {  	s4 =	sld [smem:$0x3FAC]  }
0x2a: {  	p0 =	seq.s32 s5, $0x0;
	s5 =	sld [smem:$0x3FAD]  }
0x2b: {  	s6 =	sld [smem:$0x3FAE]  }
0x2c: {  	s7 =	sld [smem:$0x3FAF]  }
0x2d: {  	s3 =	simm.s32 $0x108;
	s8 =	sld [smem:$0x3FB0]  }
0x2e: {  	s3 =	simm.s32 @!p0 $0x1082;
	s9 =	sld [smem:$0x3FB1]  }
0x2f: {  	lr =	sadd.s32 s0, s3;
	s0 =	sld [smem:$0x3FA8]  }
0x30: {  	s3 =	sld [smem:$0x3FAB]  }
0x31: {  	[smem:$0x3FB4] =	sst s10  }
0x32: {  	s10 =	sld [smem:$0x3FB2];
	_ =	sdelay $0x3  }
0x33: {  	p0 =	seq.s32 s10, $0x1;
	s10 =	sld [smem:$0x3FB4];
	_ =	sdelay $0x3  }
0x34: {  	[smem:$0x3FB4] =	sst s10  }
0x35: {  	s10 =	sld [smem:$0x3FB3];
	_ =	sdelay $0x3  }
0x36: {  	p1 =	seq.s32 s10, $0x1;
	s10 =	sld [smem:$0x3FB4];
	_ =	sdelay $0x3  }
0x37: {  	[smem:$0x3FB4] =	sst s10  }
0x38: {  	s10 =	sld [smem:$0x3FB5]  }
0x39: {  	_ = 	snop;
	(pc) =	sbr.ind lr, $3  }
0x3a: {  	_ = 	snop  }
0x3b: {  	_ = 	snop  }
0x3c: {  	p2 =	seq.s32 s10, $0x1;
	s10 =	sld [smem:$0x3FB4]  }
0x3d: {  	_ =	shalt  }
0x3e: {  	_ =	shalt  }
0x3f: {  	_ =	shalt  }
0x40: {  	_ =	shalt  }
0x41: {  	_ =	shalt  }
0x42: {  	_ =	shalt  }
0x43: {  	_ =	shalt  }
0x44: {  	_ =	shalt  }
0x45: {  	_ =	shalt  }
0x46: {  	_ =	shalt  }
0x47: {  	_ =	shalt  }
0x48: {  	_ =	shalt  }
0x49: {  	_ =	shalt  }
0x4a: {  	_ =	shalt  }
0x4b: {  	_ =	shalt  }
0x4c: {  	_ =	shalt  }
0x4d: {  	_ =	shalt  }
0x4e: {  	_ =	shalt  }
0x4f: {  	_ =	shalt  }
0x50: {  	_ =	shalt  }
0x51: {  	_ =	shalt  }
0x52: {  	_ =	shalt  }
0x53: {  	_ =	shalt  }
0x54: {  	_ =	shalt  }
0x55: {  	_ =	shalt  }
0x56: {  	_ =	shalt  }
0x57: {  	_ =	shalt  }
0x58: {  	_ =	shalt  }
0x59: {  	_ =	shalt  }
0x5a: {  	_ =	shalt  }
0x5b: {  	_ =	shalt  }
0x5c: {  	_ =	shalt  }
0x5d: {  	_ =	shalt  }
0x5e: {  	_ =	shalt  }
0x5f: {  	_ =	shalt  }
0x60: {  	_ =	shalt  }
0x61: {  	_ =	shalt  }
0x62: {  	_ =	shalt  }
0x63: {  	_ =	shalt  }
0x64: {  	_ =	shalt  }
0x65: {  	_ =	shalt  }
0x66: {  	_ =	shalt  }
0x67: {  	_ =	shalt  }
0x68: {  	_ =	shalt  }
0x69: {  	_ =	shalt  }
0x6a: {  	_ =	shalt  }
0x6b: {  	_ =	shalt  }
0x6c: {  	_ =	shalt  }
0x6d: {  	_ =	shalt  }
0x6e: {  	_ =	shalt  }
0x6f: {  	_ =	shalt  }
0x70: {  	_ =	shalt  }
0x71: {  	_ =	shalt  }
0x72: {  	_ =	shalt  }
0x73: {  	_ =	shalt  }
0x74: {  	_ =	shalt  }
0x75: {  	_ =	shalt  }
0x76: {  	_ =	shalt  }
0x77: {  	_ =	shalt  }
0x78: {  	_ =	shalt  }
0x79: {  	_ =	shalt  }
0x7a: {  	_ =	shalt  }
0x7b: {  	_ =	shalt  }
0x7c: {  	_ =	shalt  }
0x7d: {  	_ =	shalt  }
0x7e: {  	_ =	shalt  }
0x7f: {  	_ =	shalt  }
0x80: {  	_ =	shalt  }
0x81: {  	_ =	shalt  }
0x82: {  	_ =	shalt  }
0x83: {  	_ =	shalt  }
0x84: {  	_ =	shalt  }
0x85: {  	_ =	shalt  }
0x86: {  	_ =	shalt  }
0x87: {  	_ =	shalt  }
.Lfunc_end0:
.L_simem_size_0:
called_computation_lowered:
.L_overlay_start_0:
0x88: {  	s2 =	sld [smem:$0x3FD9]  }
0x89: {  	s3 =	sld [smem:$0x3FFE];
	_ =	sdelay $0x1  }
0x8a: {  	s1 =	srdreg.scid  }
0x8b: {  	s0 =	sand.u32 $0x1, s1  }
0x8c: {  	s17 =	sshll.u32 s0, $0xA;
	s2 =	sadd.s32 s3, s2  }
0x8d: {  	s2 =	sadd.s32 s2, s17  }
0x8e: {  	[smem:$0x3FC0] =	sst s2  }
0x8f: {  	_ = 	snop  }
0x90: {  	s2 =	sld [smem:$0x3FC9]  }
0x91: {  	s18 =	sld [smem:$0x3FC8]  }
0x92: {  	s4 =	sld [smem:$0x3FC7]  }
0x93: {  	s5 =	sld [smem:$0x3FC6]  }
0x94: {  	s6 =	sld [smem:$0x3FC5]  }
0x95: {  	s7 =	sld [smem:$0x3FC4]  }
0x96: {  	s8 =	sld [smem:$0x3FC3]  }
0x97: {  	s9 =	sld [smem:$0x3FC2];
	(tm) =	ssettm $0x1  }
0x98: {  	s10 =	sld [smem:$0x3FFB];
	_ =	sdelay $0x3  }
0x99: {  	_ =	strace s10  }
0x9a: {  	s10 =	sld [smem:$0x3FFC];
	_ =	sdelay $0x3  }
0x9b: {  	_ =	strace s10  }
0x9c: {  	s10 =	sld [smem:$0x3FFD];
	_ =	sdelay $0x3  }
0x9d: {  	_ =	strace s10  }
0x9e: {  	_ =	strace $0x8FFFFFFF  }
0x9f: {  	s19 =	sld [smem:$0x3FDB];
	_ =	sdelay $0x1  }
0xa0: {  	s11 =	simm.s32 $_scs_section_size  }
0xa1: {  	s12 =	simm.s32 $_size__tile_overlayer_lowered;
	s13 =	simm.s32 $_tile_overlayer_lowered  }
0xa2: {  	s22 =	simm.s32 $0x1BFF;
	s21 =	sshll.u32 s13, $0x1;
	s10 =	sadd.s32 s11, s19  }
0xa3: {  	s14 =	simm.s32 $0x0;
	s20 =	sshll.u32 s12, $0x1;
	s12 =	sadd.s32 s21, s10  }
0xa4: {  	[timem:s14], [sflag:s22] =	dma.local [hbm:s12], s20  }
0xa5: {  	_ =	swait.ge [sflag:s22], s20  }
0xa6: {  	s11 =	ssub.s32 $0x0, s20;
	[sflag:s22] =	ssyncset.done $0x0  }
0xa7: {  	[sflag:s22] =	ssyncadd.s32 s11;
	_ =	sdelay $0x1  }
0xa8: {  	s23 =	simm.s32 $0x1B8B  }
0xa9: {  	_ =	swait.ge [sflag:s23], $0x1  }
0xaa: {  	[sflag:s23] =	ssyncset.done $0x0  }
0xab: {  	s25 =	simm.s32 $0x1B8E;
	s24 =	sld [smem:$0x3FFE];
	[sflag:s23] =	ssyncadd.s32 $0xFFFFFFFF  }
0xac: {  	s26 =	simm.s32 $execute0_lowered;
	[smem:$0x3FD2] =	sst s25  }
0xad: {  	s12 =	sshll.u32 s26, $0x1;
	_ =	strace $0x80000046;
	[dreg:$0x1] =	wrdreg $0xFFFFFFFF  }
0xae: {  	s28 =	simm.s32 $_size_execute0_lowered;
	s10 =	sadd.s32 s10, s12;
	[dreg:$0x0] =	wrdreg $0x0  }
0xaf: {  	s12 =	sshll.u32 s28, $0x1;
	[dreg:$0x2] =	wrdreg s10  }
0xb0: {  	[dreg:$0x3] =	wrdreg s12  }
0xb1: {  	[dreg:$0x4] =	wrdreg $0xC0  }
0xb2: {  	_ =	task [dreg:s14], $0x5FFFF  }
0xb3: {  	[dreg:$0x1] =	wrdreg $0xFFFFFFFF  }
0xb4: {  	[dreg:$0x0] =	wrdreg $0x60  }
0xb5: {  	[dreg:$0x2] =	wrdreg s2  }
0xb6: {  	[dreg:$0x3] =	wrdreg s18  }
0xb7: {  	[dreg:$0x4] =	wrdreg s4  }
0xb8: {  	[dreg:$0x5] =	wrdreg s5  }
0xb9: {  	[dreg:$0x6] =	wrdreg s6  }
0xba: {  	[dreg:$0x7] =	wrdreg s7  }
0xbb: {  	[dreg:$0x8] =	wrdreg s8  }
0xbc: {  	[dreg:$0x9] =	wrdreg s9  }
0xbd: {  	[dreg:$0xa] =	wrdreg s24  }
0xbe: {  	[dreg:$0xb] =	wrdreg $0x9  }
0xbf: {  	_ =	task.clear_ibuf [dreg:s14], $0xCFFFF;
	_ =	strace $0x90000046  }
0xc0: {  	s29 =	simm.s32 $0x9;
	_ =	strace $0x80000048  }
0xc1: {  	_ =	swait.ge [sflag:s29], $0x1  }
0xc2: {  	[sflag:s29] =	ssyncadd.s32 $0xFFFFFFFF  }
0xc3: {  	_ =	strace $0x90000048  }
0xc4: {  	_ =	sfence  }
0xc5: {  	s30 =	sld [smem:$0x0];
	_ =	sdelay $0x2  }
0xc6: {  	s31 =	sshll.u32 s1, $0xD;
	s1 =	sshrl.u32 s1, $0x2  }
0xc7: {  	s3 =	sand.u32 $0x4000, s31;
	s1 =	sadd.s32 s1, s30  }
0xc8: {  	s0 =	sor.u32 s3, s0;
	s1 =	sshll.u32 s1, $0x11  }
0xc9: {  	s0 =	sor.u32 s1, s0  }
0xca: {  	s0 =	sadd.s32 $0x8F2B, s0  }
0xcb: {  	[sflag:s0] =	ssyncadd.remote.s32 $0x1  }
0xcc: {  	_ =	sfence.sel $0xFFFF  }
0xcd: {  	[dreg:$0x0] =	wrdreg $0xFFFFFFFF;
	(pc) =	sbr.abs _section_cstart, $3  }
0xce: {  	[dreg:$0x1] =	wrdreg $0xFFFFFFFF  }
0xcf: {  	_ =	task.clear_ibuf [dreg:s14], $0x2FFFF;
	_ =	strace $0x9FFFFFFF  }
0xd0: {  	(tm) =	ssettm $0x7FFFFFFF  }
0xd1: {  	_ =	shalt  }
tec
execute0_lowered:
.L_overlay_start_1:
0x0: {  	(tag) =	ssettag $0x1  }
0x1: {  	s0 =	rddreg [dreg:$0x2]  }
0x2: {  	s2 =	rddreg [dreg:$0x3]  }
0x3: {  	s3 =	rddreg [dreg:$0x4]  }
0x4: {  	s8 =	rddreg [dreg:$0x5]  }
0x5: {  	s9 =	rddreg [dreg:$0x6]  }
0x6: {  	s10 =	rddreg [dreg:$0x7]  }
0x7: {  	s4 =	srdreg.scid;
	s1 =	stileid.u32  }
0x8: {  	s11 =	rddreg [dreg:$0x8];
	s16 =	simm.s32 $0x3E00;
	s17 =	simm.s32 $0x4080  }
0x9: {  	s18 =	simm.s32 $0x4300;
	s19 =	simm.s32 $0x4580;
	s20 =	simm.s32 $0x1  }
0xa: {  	s21 =	simm.s32 $0x500;
	s22 =	simm.s32 $0x4800;
	s23 =	simm.s32 $0x2  }
0xb: {  	s12 =	sand.u32 $0x1, s4;
	s25 =	sshll.u32 s1, $0x1;
	s4 =	simm.s32 $0x0  }
0xc: {  	s15 =	smul.u32 $0x500, s1;
	s13 =	sor.u32 s12, s25;
	s5 =	ssub.s32 $0x2, s12  }
0xd: {  	[smem:$0x7FF] =	sst s4;
	s29 =	smul.u32 $0x280, s12;
	s25 =	simm.s32 $0x3  }
0xe: {  	s24 =	smul.u32 $0x280, s13;
	s6 =	sshrl.u32 s5, $0x1;
	_ =	strace $0x80000047  }
0xf: {  	s30 =	sshll.u32 s13, $0x4;
	s14 =	ssub.s32 s5, s6;
	s5 =	sadd.s32 $0x10000, s0  }
0x10: {  	s11 =	sadd.s32 s11, s30;
	s31 =	sadd.s32 s29, s15;
	s15 =	simm.s32 $0x3B80  }
0x11: {  	s26 =	smin.u32 s24, $0x4BA0;
	s12 =	smax.u32 s14, $0x1;
	s13 =	smin.u32 s31, $0x4BA0  }
0x12: {  	s14 =	simm.s32 $0x1400;
	v0 =	vmov s24;
	s24 =	simm.s32 $0x5200;
	s28 =	sshrl.u32 s26, $0x3  }
0x13: {  	s26 =	simm.s32 $0x0;
	s6 =	sadd.s32 s2, s28;
	s7 =	sadd.s32 s3, s28  }
0x14: {  	v1 =	vlaneseq.u32;
	s8 =	sadd.s32 s8, s28;
	s9 =	sadd.s32 s9, s28;
	s10 =	sadd.s32 s10, s28  }
.LBB2_1:
0x15: {  	s0 =	rddreg [dreg:$0x1]  }
0x16: {  	[tilespmem:s4], [sflag:$0x2] =	stream.linear.gather [hbm4b:s0+s4], $0x1400, $0x38;
	[tilespmem:$0x5280] =	vst v63  }
0x17: {  	_ = 	snop  }
0x18: {  	[tilespmem:s14], [sflag:$0x2] =	stream.linear.gather [hbm4b:s5+s4], $0x2710, $0x38;
	[tilespmem:$0x5280] =	vst v63  }
0x19: {  	_ = 	snop  }
0x1a: {  	[tilespmem:s15], [sflag:$0x1] =	stream.linear.gather [hbm4b:s6+s4], $0x280, $0x38;
	[tilespmem:$0x5280] =	vst v63  }
0x1b: {  	_ = 	snop  }
0x1c: {  	[tilespmem:s16], [sflag:$0x1] =	stream.linear.gather [hbm4b:s7+s4], $0x280, $0x38;
	[tilespmem:$0x5280] =	vst v63  }
0x1d: {  	_ = 	snop  }
0x1e: {  	[tilespmem:s17], [sflag:$0x1] =	stream.linear.gather [hbm4b:s8+s4], $0x280, $0x38;
	[tilespmem:$0x5280] =	vst v63  }
0x1f: {  	_ = 	snop  }
0x20: {  	[tilespmem:s18], [sflag:$0x1] =	stream.linear.gather [hbm4b:s9+s4], $0x280, $0x38;
	[tilespmem:$0x5280] =	vst v63  }
0x21: {  	_ = 	snop  }
0x22: {  	[tilespmem:s19], [sflag:$0x1] =	stream.linear.gather [hbm4b:s10+s4], $0x280, $0x38;
	[tilespmem:$0x5280] =	vst v63  }
0x23: {  	_ =	swait.ge [sflag:s20], $0x280  }
0x24: {  	[sflag:s20] =	ssyncset.done $0x0  }
0x25: {  	[sflag:s20] =	ssyncadd.s32 $0xFFFFFD80  }
0x26: {  	_ =	swait.ge [sflag:s20], $0x280  }
0x27: {  	[sflag:s20] =	ssyncset.done $0x0  }
0x28: {  	[sflag:s20] =	ssyncadd.s32 $0xFFFFFD80  }
0x29: {  	_ =	swait.ge [sflag:s20], $0x280  }
0x2a: {  	[sflag:s20] =	ssyncset.done $0x0  }
0x2b: {  	[sflag:s20] =	ssyncadd.s32 $0xFFFFFD80  }
0x2c: {  	_ =	swait.ge [sflag:s20], $0x280  }
0x2d: {  	[sflag:s20] =	ssyncset.done $0x0  }
0x2e: {  	[sflag:s20] =	ssyncadd.s32 $0xFFFFFD80  }
0x2f: {  	_ =	swait.ge [sflag:s20], $0x280  }
0x30: {  	[sflag:s20] =	ssyncset.done $0x0  }
0x31: {  	s1 =	simm.s32 $0x3E10;
	[sflag:s20] =	ssyncadd.s32 $0xFFFFFD80  }
0x32: {  	s2 =	simm.s32 $0x4090;
	v2 =	vld [tilespmem:s1+$0x0]  }
0x33: {  	s3 =	simm.s32 $0x4310;
	v3 =	vld [tilespmem:s2+$0x0]  }
0x34: {  	v4 =	vld [tilespmem:s3+$0x0]  }
0x35: {  	s28 =	simm.s32 $0x4590;
	v5 =	vld [tilespmem:s2+$0xFFFFFFF0]  }
0x36: {  	v6 =	vld [tilespmem:s28+$0x0]  }
0x37: {  	v7 =	vld [tilespmem:s1+$0xFFFFFFF0]  }
0x38: {  	v8 =	vld [tilespmem:s3+$0xFFFFFFF0]  }
0x39: {  	v9 =	vld [tilespmem:s28+$0xFFFFFFF0];
	s28 =	simm.s32 $0x40B0  }
0x3a: {  	s3 =	simm.s32 $0x3E30;
	v10 =	vld [tilespmem:s28+$0x0];
	v2 =	vshll.u32 v2, $0xF;
	v3 =	vshll.u32 v3, $0xD  }
0x3b: {  	s29 =	simm.s32 $0x4330;
	v2 =	vadd.s32 v2, v3;
	v3 =	vshll.u32 v4, $0x6;
	v4 =	vld [tilespmem:s3+$0x0]  }
0x3c: {  	v11 =	vld [tilespmem:s29+$0x0];
	v2 =	vadd.s32 v3, v2;
	v3 =	vshll.u32 v5, $0xD;
	v5 =	vshll.u32 v7, $0xF  }
0x3d: {  	s30 =	simm.s32 $0x45B0;
	v8 =	vshll.u32 v8, $0x6;
	v6 =	vadd.s32 v6, v2;
	v2 =	vld [tilespmem:s28+$0xFFFFFFF0];
	v3 =	vadd.s32 v5, v3  }
0x3e: {  	v5 =	vld [tilespmem:s30+$0x0];
	v7 =	vadd.s32 $0x1000, v6;
	v3 =	vadd.s32 v8, v3;
	[tilespmem:s22+$0x10] =	vst v6  }
0x3f: {  	v6 =	vld [tilespmem:s3+$0xFFFFFFF0];
	[tilespmem:s22+$0x290] =	vst v7;
	v7 =	vadd.s32 v9, v3  }
0x40: {  	s31 =	simm.s32 $0x0;
	s1 =	sand.u32 $0x3E0, s4;
	v3 =	vld [tilespmem:s29+$0xFFFFFFF0];
	v9 =	vshll.u32 v10, $0xD;
	v8 =	vshll.u32 v4, $0xF;
	[tilespmem:s22+$0x0] =	vst v7;
	v10 =	vadd.s32 $0x1000, v7  }
0x41: {  	s0 =	simm.s32 $0x3E50;
	s2 =	simm.s32 $0x4800;
	s3 =	simm.s32 $0x2;
	v4 =	vld [tilespmem:s30+$0xFFFFFFF0];
	v7 =	vadd.s32 v8, v9;
	v8 =	vshll.u32 v11, $0x6;
	[tilespmem:s1+$0x4A80] =	vst v10  }
.LBB2_2:
0x42: {  	v9 =	vld [tilespmem:s0+$0x0];
	v10 =	vshll.u32 v2, $0xD;
	v2 =	vadd.s32 v8, v7;
	s28 =	sadd.s32 $0x20, s28  }
0x43: {  	s3 =	sadd.s32 $0x2, s3;
	s29 =	sadd.s32 $0x20, s29;
	v7 =	vld [tilespmem:s28+$0x0];
	v8 =	vadd.s32 v5, v2  }
0x44: {  	s2 =	sadd.s32 $0x20, s2;
	p0 =	slt.u32 s3, $0x26;
	v11 =	vld [tilespmem:s29+$0x0];
	v5 =	vshll.u32 v6, $0xF;
	v6 =	vadd.s32 $0x1000, v8  }
.Ltmp0:
0x45: {  	s30 =	sadd.s32 $0x20, s30;
	v2 =	vld [tilespmem:s28+$0xFFFFFFF0];
	v10 =	vadd.s32 v5, v10;
	v3 =	vshll.u32 v3, $0x6;
	[tilespmem:s2+$0x290] =	vst v6;
	(pc) =	sbr.rel @p0 .LBB2_2-.Ltmp0, $4  }
0x46: {  	v5 =	vld [tilespmem:s30+$0x0];
	v3 =	vadd.s32 v3, v10;
	[tilespmem:s2+$0x10] =	vst v8  }
0x47: {  	s31 =	sadd.s32 $0x20, s31;
	v6 =	vld [tilespmem:s0+$0xFFFFFFF0];
	v4 =	vadd.s32 v4, v3  }
0x48: {  	s1 =	sand.u32 $0x3E0, s31;
	v8 =	vshll.u32 v9, $0xF;
	v3 =	vld [tilespmem:s29+$0xFFFFFFF0];
	v7 =	vshll.u32 v7, $0xD;
	[tilespmem:s2+$0x0] =	vst v4;
	v9 =	vadd.s32 $0x1000, v4  }
0x49: {  	s0 =	sadd.s32 $0x20, s0;
	v4 =	vld [tilespmem:s30+$0xFFFFFFF0];
	v7 =	vadd.s32 v8, v7;
	v8 =	vshll.u32 v11, $0x6;
	[tilespmem:s1+$0x4A80] =	vst v9  }
0x4a: {  	_ =	sdelay $0x1  }
0x4b: {  	v7 =	vadd.s32 v8, v7;
	v2 =	vshll.u32 v2, $0xD;
	v6 =	vshll.u32 v6, $0xF  }
0x4c: {  	s0 =	sadd.s32 $0x20, s2;
	v5 =	vadd.s32 v5, v7;
	v2 =	vadd.s32 v6, v2;
	v3 =	vshll.u32 v3, $0x6  }
0x4d: {  	v7 =	vadd.s32 $0x1000, v5;
	[tilespmem:s0+$0x10] =	vst v5;
	v2 =	vadd.s32 v3, v2  }
0x4e: {  	s1 =	sadd.s32 $0x20, s31;
	[tilespmem:s0+$0x290] =	vst v7;
	v2 =	vadd.s32 v4, v2  }
0x4f: {  	s2 =	sand.u32 $0x3E0, s1;
	[tilespmem:s0+$0x0] =	vst v2;
	v2 =	vadd.s32 $0x1000, v2  }
0x50: {  	s3 =	rddreg [dreg:$0x0];
	s0 =	simm.s32 $0x4D00;
	[tilespmem:s2+$0x4A80] =	vst v2  }
0x51: {  	[tilespmem:s0], [sflag:$0x2] =	stream.indirect.gather [hbm4b:s3+s21], $0x1, s22, s21, $0xb8;
	[tilespmem:$0x5280] =	vst v63  }
0x52: {  	_ =	swait.ge [sflag:s23], $0x1400  }
0x53: {  	[sflag:s23] =	ssyncset.done $0x0  }
0x54: {  	[sflag:s23] =	ssyncadd.s32 $0xFFFFEC00  }
0x55: {  	_ =	swait.ge [sflag:s23], $0x2710  }
0x56: {  	[sflag:s23] =	ssyncset.done $0x0  }
0x57: {  	[sflag:s23] =	ssyncadd.s32 $0xFFFFD8F0  }
0x58: {  	_ =	swait.ge [sflag:s23], $0x500  }
0x59: {  	[sflag:s23] =	ssyncset.done $0x0  }
0x5a: {  	s2 =	simm.s32 $0x3B90;
	[sflag:s23] =	ssyncadd.s32 $0xFFFFFB00  }
0x5b: {  	v3 =	vld [tilespmem:s2+$0xFFFFFFF0]  }
0x5c: {  	v5 =	vld [tilespmem:s2+$0x0];
	_ =	sdelay $0x1  }
0x5d: {  	v13 =	vld [tilespmem:s0+$0x10]  }
0x5e: {  	s3 =	simm.s32 $0x0;
	v14 =	vld [tilespmem:s0+$0x290]  }
0x5f: {  	s1 =	sand.u32 $0x3E0, s3;
	v7 =	vld [tilespmem:s0+$0x0];
	v4 =	vadd.s32 $0x1388, v3  }
0x60: {  	s2 =	simm.s32 $0x3BB0;
	v8 =	vld [tilespmem:s1+$0x4F80]  }
0x61: {  	v2 =	vld [tilespmem:s2+$0xFFFFFFF0];
	v6 =	vadd.s32 $0x1388, v5  }
0x62: {  	v10 =	vld.idx.msk [tilespmem:v3+s14+$0x0], $0xffff  }
0x63: {  	v15 =	vld.idx.msk [tilespmem:v5+s14+$0x0], $0xffff  }
0x64: {  	v12 =	vld.idx.msk [tilespmem:v4+s14+$0x0], $0xffff  }
0x65: {  	v9 =	vld.idx.msk [tilespmem:v3+s4+$0x0], $0xffff  }
0x66: {  	v17 =	vld.idx.msk [tilespmem:v6+s14+$0x0], $0xffff  }
0x67: {  	s29 =	simm.s32 $0x4D20;
	s3 =	sadd.s32 $0x0, s13;
	v3 =	vld [tilespmem:s2+$0x0]  }
0x68: {  	v11 =	vor.u32 s3, v1;
	v6 =	vld [tilespmem:s29+$0x10]  }
0x69: {  	s0 =	sadd.s32 $0x10, s3;
	v4 =	vimm.f32 $0.0e+00;
	v16 =	vsub.f32 v10, v7;
	v7 =	vld [tilespmem:s29+$0x290];
	v18 =	vsub.f32 v12, v8  }
0x6a: {  	v10 =	vor.u32 s0, v1;
	v13 =	vsub.f32 v15, v13;
	v8 =	vld.idx.msk [tilespmem:v5+s4+$0x0], $0xffff;
	v12 =	vadd.s32 $0x1388, v2  }
0x6b: {  	s30 =	simm.s32 $0x2;
	s31 =	simm.s32 $0x3BD0;
	s28 =	simm.s32 $0x20;
	v5 =	vld [tilespmem:s29+$0x0];
	v15 =	vmul.f32 v16, v16;
	v14 =	vsub.f32 v17, v14;
	v16 =	vmul.f32 v18, v18  }
.LBB2_4:
0x6c: {  	v17 =	vld [tilespmem:s31+$0xFFFFFFF0];
	s0 =	sand.u32 $0x3E0, s28;
	v18 =	vadd.s32 $0x1388, v3;
	vm0 =	vne.s32 v9, $0x0;
	vm1 =	vge.u32 v11, v0;
	v19 =	vmovc v3  }
0x6d: {  	v11 =	vmul.f32 v13, v13;
	v20 =	vld [tilespmem:s0+$0x4F80];
	v9 =	vadd.f32 v16, v15;
	v13 =	vmul.f32 v14, v14;
	v14 =	vmovc v6  }
0x6e: {  	vm0 =	vmand vm1, vm0;
	vm1 =	vge.u32 v10, v0;
	v15 =	vld.idx.msk [tilespmem:v2+s14+$0x0], $0xffff  }
0x6f: {  	v10 =	vld.idx.msk [tilespmem:v12+s14+$0x0], $0xffff;
	v6 =	vnsel vm0, $0x0, v9;
	vm0 =	vne.s32 v8, $0x0;
	v8 =	vadd.f32 v13, v11;
	v21 =	vmovc v7  }
0x70: {  	v13 =	vld.idx.msk [tilespmem:v3+s14+$0x0], $0xffff;
	v3 =	vadd.f32 v6, v4;
	vm0 =	vmand vm1, vm0  }
0x71: {  	s30 =	sadd.s32 $0x2, s30;
	v18 =	vld.idx.msk [tilespmem:v18+s14+$0x0], $0xffff;
	v4 =	vnsel vm0, $0x0, v8  }
0x72: {  	p0 =	slt.u32 s30, $0x26;
	v9 =	vld.idx.msk [tilespmem:v2+s4+$0x0], $0xffff;
	v4 =	vadd.f32 v4, v3;
	v2 =	vmov v17  }
.Ltmp1:
0x73: {  	s29 =	sadd.s32 $0x20, s29;
	v3 =	vld [tilespmem:s31+$0x0];
	(pc) =	sbr.rel @p0 .LBB2_4-.Ltmp1, $4  }
0x74: {  	s0 =	sadd.s32 s28, s13;
	v6 =	vld [tilespmem:s29+$0x10]  }
0x75: {  	v11 =	vor.u32 s0, v1;
	s0 =	sadd.s32 $0x10, s0;
	v15 =	vsub.f32 v15, v5;
	v16 =	vsub.f32 v10, v20;
	v8 =	vld.idx.msk [tilespmem:v19+s4+$0x0], $0xffff  }
0x76: {  	v12 =	vadd.s32 $0x1388, v2;
	v10 =	vor.u32 s0, v1;
	v13 =	vsub.f32 v13, v14;
	v7 =	vld [tilespmem:s29+$0x290]  }
0x77: {  	s28 =	sadd.s32 $0x20, s28;
	s31 =	sadd.s32 $0x20, s31;
	v15 =	vmul.f32 v15, v15;
	v16 =	vmul.f32 v16, v16;
	v14 =	vsub.f32 v18, v21;
	v5 =	vld [tilespmem:s29+$0x0]  }
0x78: {  	_ =	sdelay $0x2  }
0x79: {  	v17 =	vadd.s32 $0x1388, v3  }
0x7a: {  	v19 =	vld.idx.msk [tilespmem:v2+s14+$0x0], $0xffff  }
0x7b: {  	s0 =	sand.u32 $0x3E0, s28;
	v12 =	vld.idx.msk [tilespmem:v12+s14+$0x0], $0xffff  }
0x7c: {  	v18 =	vld [tilespmem:s0+$0x4F80]  }
0x7d: {  	vm0 =	vne.s32 v9, $0x0;
	vm1 =	vge.u32 v11, v0;
	v56 =	vld.idx.msk [tilespmem:v3+s14+$0x0], $0xffff  }
0x7e: {  	v13 =	vmul.f32 v13, v13;
	vm10 =	vge.u32 v10, v0;
	s31 =	sadd.s32 s28, s13;
	v14 =	vmul.f32 v14, v14;
	v57 =	vld.idx.msk [tilespmem:v17+s14+$0x0], $0xffff  }
0x7f: {  	v2 =	vld.idx.msk [tilespmem:v2+s4+$0x0], $0xffff;
	v55 =	vadd.f32 v16, v15;
	vm0 =	vmand vm1, vm0;
	v60 =	vor.u32 s31, v1;
	s0 =	sadd.s32 $0x10, s31  }
0x80: {  	vm11 =	vne.s32 v8, $0x0;
	v61 =	vor.u32 s0, v1;
	v58 =	vadd.f32 v14, v13  }
0x81: {  	v9 =	vnsel vm0, $0x0, v55;
	v5 =	vsub.f32 v19, v5;
	v59 =	vsub.f32 v12, v18  }
0x82: {  	v3 =	vld.idx.msk [tilespmem:v3+s4+$0x0], $0xffff;
	vm0 =	vmand vm10, vm11;
	v4 =	vadd.f32 v9, v4;
	v6 =	vsub.f32 v56, v6  }
0x83: {  	v5 =	vmul.f32 v5, v5;
	v9 =	vmul.f32 v59, v59;
	v7 =	vsub.f32 v57, v7  }
0x84: {  	vm13 =	vge.u32 v60, v0;
	v8 =	vnsel vm0, $0x0, v58;
	vm12 =	vne.s32 v2, $0x0  }
0x85: {  	v62 =	vmul.f32 v6, v6;
	v2 =	vadd.f32 v9, v5;
	v63 =	vmul.f32 v7, v7  }
0x86: {  	vm14 =	vge.u32 v61, v0;
	v4 =	vadd.f32 v8, v4;
	vm0 =	vmand vm13, vm12  }
0x87: {  	vm15 =	vne.s32 v3, $0x0;
	v2 =	vnsel vm0, $0x0, v2;
	v3 =	vadd.f32 v63, v62  }
0x88: {  	vm0 =	vmand vm14, vm15;
	v2 =	vadd.f32 v2, v4  }
0x89: {  	v3 =	vnsel vm0, $0x0, v3  }
0x8a: {  	s26 =	sadd.s32 $0x1, s26;
	v2 =	vadd.f32 v3, v2  }
0x8b: {  	p0 =	sne.s32 s26, s12  }
.Ltmp2:
0x8c: {  	[tilespmem:$0x5200] =	vst v2;
	(pc) =	sbr.rel @p0 .LBB2_1-.Ltmp2, $4  }
0x8d: {  	[hbm4b:s11+s4] =	stream.linear.scatter [tilespmem:s24], [sflag:$0x3], $0x80, $0x38;
	[tilespmem:$0x5280] =	vst v63  }
0x8e: {  	_ =	swait.ge [sflag:s25], $0x80  }
0x8f: {  	[sflag:s25] =	ssyncset.done $0x0  }
0x90: {  	[sflag:s25] =	ssyncadd.s32 $0xFFFFFF80  }
0x91: {  	_ =	sfence.sel $0x180000  }
0x92: {  	[bflag:$0x0] =	sbarrier.arrive $0xFFFF  }
0x93: {  	_ =	strace $0x90000047  }
0x94: {  	s0 =	stileid.u32;
	[bflag:$0x2] =	sbarrier.arrive $0xFFFF  }
0x95: {  	p0 =	sne.s32 s0, $0x0;
	s0 =	rddreg [dreg:$0x9]  }
0x96: {  	s0 =	sadd.s32 @!p0 $0x100000, s0  }
0x97: {  	[sflag:s0] =	ssyncadd.tile.s32 @!p0 $0x1;
	_ =	shalt  }
.Lfunc_end2:
_tile_overlayer_lowered:
.L_overlay_start_2:
0x98: {  	(tag) =	ssettag $0x2  }
0x99: {  	s0 =	rddreg [dreg:$0x0];
	s2 =	stileid.u32  }
0x9a: {  	s1 =	rddreg [dreg:$0x1];
	p0 =	sne.s32 s2, $0x0  }
0x9b: {  	s3 =	rddreg [dreg:$0x2];
	[bflag:$0x3] =	sbarrier.arrive $0xFFFF;
	s2 =	simm.s32 @!p0 $0x1C03  }
0x9c: {  	[timem:s3], [sflag:s2] =	dma.local @!p0 [hbm:s0], s1  }
0x9d: {  	s0 =	simm.s32 @!p0 $0x3  }
0x9e: {  	_ =	swait.ge @!p0 [sflag:s0], s1  }
0x9f: {  	s1 =	ssub.s32 @!p0 $0x0, s1;
	[sflag:s0] =	ssyncset.done @!p0 $0x0  }
0xa0: {  	[sflag:s0] =	ssyncadd.s32 @!p0 s1  }
0xa1: {  	[bflag:$0x3] =	sbarrier.arrive $0xFFFF  }
0xa2: {  	_ =	shalt  }

</sc_bundles>
